<compile_context>
chip_gen: v7x
topology: tpu7x:2x2x1
jax: 0.10.2.dev20260603
libtpu: 0.0.44.dev20260713+nightly
codegen_flags: <defaults>
</compile_context>

<pallas_src>
import dataclasses
import functools
import math

import jax
import jax.numpy as jnp
from jax import lax
from jax.experimental import pallas as pl
from jax.experimental.pallas import tpu as pltpu
from jax.experimental.pallas import tpu_sc as plsc

N = 10000
E = 320000
D = 128
G = 64
NW = 32
ROWS = 320
NPAD = NW * ROWS
NEGB = -1.0e30



def _tck_a_body(x_ref, k_ref, w_ref, b_ref, o_ref):
    xw = jnp.dot(x_ref[...], w_ref[...], preferred_element_type=jnp.float32)
    xw = jnp.maximum(xw + b_ref[...], 0.0)
    o_ref[...] = jnp.where(k_ref[...] > 0.0, xw, NEGB)


def _tck_a(X, keptf, W, b2):
    return pl.pallas_call(
        _tck_a_body,
        out_shape=jax.ShapeDtypeStruct((NPAD, D), jnp.float32),
    )(X, keptf, W, b2)


def _tck_b1_body(a_ref, x_ref, wa_ref, wx_ref, k_ref, p_ref, h_ref, y_ref):
    A = a_ref[...]
    aggr = jnp.maximum(A[:NPAD], A[NPAD:])
    h = jnp.dot(aggr, wa_ref[...], preferred_element_type=jnp.float32)
    h += jnp.dot(x_ref[...], wx_ref[...], preferred_element_type=jnp.float32)
    h = jnp.maximum(h, 0.0)
    h = jnp.where(k_ref[...] > 0.0, h, 0.0)
    h_ref[...] = h
    p = p_ref[...]
    pn = p / jnp.sqrt(jnp.sum(p * p))
    y_ref[...] = jnp.dot(h, pn.T, preferred_element_type=jnp.float32)


def _tck_b1(aggr, X, Wu_a, Wu_x, keptf, p2):
    return pl.pallas_call(
        _tck_b1_body,
        out_shape=(jax.ShapeDtypeStruct((NPAD, D), jnp.float32),
                   jax.ShapeDtypeStruct((NPAD, 1), jnp.float32)),
    )(aggr, X, Wu_a, Wu_x, keptf, p2)


def _tck_b2_body(k_next, y_ref, k_ref, kn_ref, tn_ref):
    y = y_ref[...]
    yk = jnp.where(k_ref[...] > 0.0, y, -jnp.inf)
    u = lax.bitcast_convert_type(yk, jnp.uint32)
    key = jnp.where(u >> 31 != 0, ~u, u | jnp.uint32(0x80000000))

    def step(i, t):
        cand = t | (jnp.uint32(1) << (jnp.uint32(31) - i.astype(jnp.uint32)))
        cnt = jnp.sum((key >= cand).astype(jnp.int32))
        return jnp.where(cnt >= k_next, cand, t)

    t = lax.fori_loop(0, 32, step, jnp.uint32(0))
    gt = key > t
    eq = key == t
    needed = (k_next - jnp.sum(gt.astype(jnp.int32))).astype(jnp.float32)

    eqf = eq.astype(jnp.float32)
    ri = lax.broadcasted_iota(jnp.int32, (128, 128), 0)
    ci = lax.broadcasted_iota(jnp.int32, (128, 128), 1)
    mf = (ri < ci).astype(jnp.float32)
    inrow = jnp.dot(eqf, mf, preferred_element_type=jnp.float32)
    rowsum = jnp.sum(eqf, axis=1, keepdims=True)
    r8 = lax.broadcasted_iota(jnp.int32, (80, 80), 0)
    c8 = lax.broadcasted_iota(jnp.int32, (80, 80), 1)
    lf = (r8 > c8).astype(jnp.float32)
    rowpref = jnp.dot(lf, rowsum, preferred_element_type=jnp.float32)
    prefix = inrow + rowpref
    kept_new = gt | (eq & (prefix < needed))
    kn_ref[...] = kept_new.astype(jnp.float32)
    tn_ref[...] = jnp.tanh(y)


def _tck_b2(y2, keptf2, k_next):
    return pl.pallas_call(
        functools.partial(_tck_b2_body, k_next),
        out_shape=(jax.ShapeDtypeStruct((80, 128), jnp.float32),
                   jax.ShapeDtypeStruct((80, 128), jnp.float32)),
    )(y2, keptf2)


def _tck_b3_body(h_ref, kn_ref, tn_ref, b_ref, xn_ref, sm_ref, cnt_ref):
    xn = jnp.where(kn_ref[...] > 0.0, h_ref[...] * tn_ref[...], 0.0)
    xn_ref[...] = xn
    lanes = lax.broadcasted_iota(jnp.int32, (NPAD, 128), 1)
    onehot = (b_ref[...] == lanes).astype(jnp.float32)
    dn = (((0,), (0,)), ((), ()))
    sm_ref[...] = lax.dot_general(onehot, xn, dn,
                                  preferred_element_type=jnp.float32)
    cnt_ref[...] = lax.dot_general(onehot, kn_ref[...], dn,
                                   preferred_element_type=jnp.float32)


def _tck_b3(h, kn, tn, batch2d):
    return pl.pallas_call(
        _tck_b3_body,
        out_shape=(jax.ShapeDtypeStruct((NPAD, D), jnp.float32),
                   jax.ShapeDtypeStruct((128, D), jnp.float32),
                   jax.ShapeDtypeStruct((128, 1), jnp.float32)),
    )(h, kn, tn, batch2d)


def _tck_mx_body(xn_ref, kn_ref, b_ref, o_ref):
    xnm = jnp.where(kn_ref[...] > 0.0, xn_ref[...], NEGB)
    b = b_ref[...]

    def body(g, carry):
        col = jnp.max(jnp.where(b == g, xnm, NEGB), axis=0, keepdims=True)
        o_ref[pl.ds(g, 1), :] = col
        return carry

    lax.fori_loop(0, G, body, 0)


def _tck_mx(xn, kn, batch2d):
    return pl.pallas_call(
        _tck_mx_body,
        out_shape=jax.ShapeDtypeStruct((G, D), jnp.float32),
    )(xn, kn, batch2d)


def _tck_mlp_body(mx1_ref, mx2_ref, mx3_ref, sm1_ref, sm2_ref, sm3_ref,
                  c1_ref, c2_ref, c3_ref, w1_ref, b1_ref, w2_ref, b2_ref,
                  w3_ref, b3_ref, o_ref):
    def read(mx_ref, sm_ref, c_ref):
        mx = mx_ref[...]
        mx = jnp.where(mx > -1.0e29, mx, 0.0)
        mean = sm_ref[...][:G] / jnp.maximum(c_ref[...][:G], 1.0)
        return jnp.concatenate([mx, mean], axis=1)

    z = (read(mx1_ref, sm1_ref, c1_ref) + read(mx2_ref, sm2_ref, c2_ref)
         + read(mx3_ref, sm3_ref, c3_ref))
    z = jnp.maximum(jnp.dot(z, w1_ref[...], preferred_element_type=jnp.float32)
                    + b1_ref[...], 0.0)
    z = jnp.maximum(jnp.dot(z, w2_ref[...], preferred_element_type=jnp.float32)
                    + b2_ref[...], 0.0)
    z = jnp.dot(z, w3_ref[...], preferred_element_type=jnp.float32) + b3_ref[...]
    o_ref[...] = 1.0 / (1.0 + jnp.exp(-z))


def _tck_mlp(mx1, mx2, mx3, sm1, sm2, sm3, c1, c2, c3, W1, b1, W2, b2, W3, b3):
    return pl.pallas_call(
        _tck_mlp_body,
        out_shape=jax.ShapeDtypeStruct((G, 1), jnp.float32),
    )(mx1, mx2, mx3, sm1, sm2, sm3, c1, c2, c3, W1, b1, W2, b2, W3, b3)



CH = 4000
GB = 256
GBR = 128
E2 = E // 2
NCH = E2 // CH
NR = 16
ROWS2 = NPAD // NR
EC = E2 + E2 // 16 + 2 * GB

_sc_mesh = plsc.VectorSubcoreMesh(core_axis_name="c", subcore_axis_name="s")

_sc_params = pltpu.CompilerParams()
if "needs_layout_passes" in pltpu.CompilerParams.__dataclass_fields__:
    _sc_params = dataclasses.replace(_sc_params, needs_layout_passes=False)


def _bck_body(src_hbm, dst_hbm, slist_hbm, dlist_hbm,
              dbuf, sbuf, wsrc, wdloc, cvec, smem):
    c = lax.axis_index("c")
    s = lax.axis_index("s")
    lid = s * 2 + c
    base = s * ROWS2
    ebase = lid * EC

    @pl.loop(0, GB, step=16)
    def _(i):
        wsrc[pl.ds(i, 16)] = jnp.full((16,), base, jnp.int32)
        wdloc[pl.ds(i, 16)] = jnp.zeros((16,), jnp.int32)

    smem[0] = 0
    smem[1] = 0

    def flush():
        woff = smem[1] * 16
        pltpu.sync_copy(wsrc, slist_hbm.at[pl.ds(ebase + woff, GB)])
        pltpu.sync_copy(wdloc, dlist_hbm.at[pl.ds(ebase + woff, GB)])
        smem[1] = smem[1] + (smem[0] + 15) // 16
        smem[0] = 0

    @pl.loop(0, NCH)
    def _(k):
        pltpu.sync_copy(dst_hbm.at[pl.ds(c * E2 + k * CH, CH)], dbuf)
        pltpu.sync_copy(src_hbm.at[pl.ds(c * E2 + k * CH, CH)], sbuf)

        @pl.loop(0, CH, step=16)
        def _(j):
            d16 = dbuf[pl.ds(j, 16)]
            m = (d16 >= base) & (d16 < base + ROWS2)

            @pl.when(jnp.max(m.astype(jnp.int32)) > 0)
            def _():
                mi = m.astype(jnp.int32)
                csum = plsc.cumsum(mi)
                cb = smem[0]
                pos = csum - mi + cb
                s16 = sbuf[pl.ds(j, 16)]
                plsc.store_scatter(wsrc, [pos], s16, mask=m)
                plsc.store_scatter(wdloc, [pos], d16 - base, mask=m)
                smem[0] = cb + jnp.max(csum)

                @pl.when(smem[0] >= GB - 16)
                def _():
                    flush()

    flush()
    pltpu.sync_copy(wsrc, slist_hbm.at[pl.ds(ebase + smem[1] * 16, GB)])
    pltpu.sync_copy(wdloc, dlist_hbm.at[pl.ds(ebase + smem[1] * 16, GB)])
    cvec[pl.ds(0, 16)] = jnp.full((16,), smem[1] * 16, jnp.int32)
    pltpu.sync_copy(cvec, dlist_hbm.at[pl.ds(NW * EC + lid * 16, 16)])


@jax.jit
def _bucket(srcv, dstv):
    f = pl.kernel(
        _bck_body,
        out_type=(jax.ShapeDtypeStruct((NW * EC,), jnp.int32),
                  jax.ShapeDtypeStruct((NW * EC + NW * 16,), jnp.int32)),
        mesh=_sc_mesh,
        scratch_types=[
            pltpu.VMEM((CH,), jnp.int32),
            pltpu.VMEM((CH,), jnp.int32),
            pltpu.VMEM((GB,), jnp.int32),
            pltpu.VMEM((GB,), jnp.int32),
            pltpu.VMEM((16,), jnp.int32),
            pltpu.SMEM((8,), jnp.int32),
        ],
        compiler_params=_sc_params,
    )
    return f(srcv, dstv)


def _sxk_body(xw_hbm, slist_hbm, dlist_hbm, out_hbm,
              acc, cidx0, cidx1, dbuf0, dbuf1, rows0, rows1, cvec,
              sem0, sem1):
    c = lax.axis_index("c")
    s = lax.axis_index("s")
    lid = s * 2 + c
    base = s * ROWS2
    ebase = lid * EC

    cidx = (cidx0, cidx1)
    dbuf = (dbuf0, dbuf1)
    rows = (rows0, rows1)
    sem = (sem0, sem1)

    pltpu.sync_copy(xw_hbm.at[pl.ds(base, ROWS2)], acc)
    pltpu.sync_copy(dlist_hbm.at[pl.ds(NW * EC + lid * 16, 16)], cvec)
    cnt = cvec[pl.ds(0, 16)][0]
    nb = (cnt + (GBR - 1)) // GBR

    def prefetch(b, p):
        off = ebase + b * GBR
        pltpu.sync_copy(slist_hbm.at[pl.ds(off, GBR)], cidx[p])
        pltpu.sync_copy(dlist_hbm.at[pl.ds(off, GBR)],
                        dbuf[p].at[pl.ds(0, GBR)])
        pltpu.async_copy(xw_hbm.at[cidx[p]], rows[p], sem[p])

    def stage(b, p):
        @pl.when(b + 1 < nb)
        def _():
            prefetch(b + 1, 1 - p)

        pltpu.make_async_copy(xw_hbm.at[cidx[p]], rows[p], sem[p]).wait()

        @pl.loop(0, GBR)
        def _(e):
            dl = dbuf[p][pl.ds(e, 16)][0]
            arow = acc.at[dl]
            rrow = rows[p].at[e]
            for v in range(8):
                sl = pl.ds(v * 16, 16)
                arow[sl] = jnp.maximum(arow[sl], rrow[sl])

    @pl.when(nb > 0)
    def _():
        prefetch(0, 0)

    @pl.loop(0, (nb + 1) // 2)
    def _(g):
        b0 = g * 2

        @pl.when(b0 < nb)
        def _():
            stage(b0, 0)

        @pl.when(b0 + 1 < nb)
        def _():
            stage(b0 + 1, 1)

    pltpu.sync_copy(acc, out_hbm.at[pl.ds(c * NPAD + base, ROWS2)])


@jax.jit
def _segmax(xw, slist, dlist):
    f = pl.kernel(
        _sxk_body,
        out_type=jax.ShapeDtypeStruct((2 * NPAD, D), jnp.float32),
        mesh=_sc_mesh,
        scratch_types=[
            pltpu.VMEM((ROWS2, D), jnp.float32),
            pltpu.VMEM((GBR,), jnp.int32),
            pltpu.VMEM((GBR,), jnp.int32),
            pltpu.VMEM((GBR + 16,), jnp.int32),
            pltpu.VMEM((GBR + 16,), jnp.int32),
            pltpu.VMEM((GBR, D), jnp.float32),
            pltpu.VMEM((GBR, D), jnp.float32),
            pltpu.VMEM((16,), jnp.int32),
            pltpu.SemaphoreType.DMA,
            pltpu.SemaphoreType.DMA,
        ],
        compiler_params=_sc_params,
    )
    return f(xw, slist, dlist)



def kernel(x, edge_index, batch, W_lin1, b_lin1, W_upd1, p1, W_lin2, b_lin2,
           W_upd2, p2, W_lin3, b_lin3, W_upd3, p3, W1, b1, W2, b2, W3, b3):
    srcv = edge_index[0].astype(jnp.int32)
    dstv = edge_index[1].astype(jnp.int32)
    slist, dlist = _bucket(srcv, dstv)
    X = jnp.pad(x, ((0, NPAD - N), (0, 0)))
    batchp = jnp.pad(batch, (0, NPAD - N), constant_values=G)
    batch2d = batchp[:, None]
    keptf = jnp.pad(jnp.ones((N, 1), jnp.float32), ((0, NPAD - N), (0, 0)))

    layer_params = (
        (W_lin1, b_lin1, W_upd1, p1),
        (W_lin2, b_lin2, W_upd2, p2),
        (W_lin3, b_lin3, W_upd3, p3),
    )
    n_cur = N
    mxs, sms, cnts = [], [], []
    for (W, b, Wu, p) in layer_params:
        k_next = int(math.ceil(0.8 * n_cur))
        xw = _tck_a(X, keptf, W, b[None])
        aggr = _segmax(xw, slist, dlist)
        h, y = _tck_b1(aggr, X, Wu[:D], Wu[D:], keptf, p[None])
        kn2, tn2 = _tck_b2(y.reshape(80, 128), keptf.reshape(80, 128), k_next)
        kn = kn2.reshape(NPAD, 1)
        tn = tn2.reshape(NPAD, 1)
        Xn, sm, cnt = _tck_b3(h, kn, tn, batch2d)
        mxs.append(_tck_mx(Xn, kn, batch2d))
        sms.append(sm)
        cnts.append(cnt)
        X, keptf, n_cur = Xn, kn, k_next

    z = _tck_mlp(mxs[0], mxs[1], mxs[2], sms[0], sms[1], sms[2],
                 cnts[0], cnts[1], cnts[2], W1, b1[None], W2, b2[None],
                 W3, b3[None])
    return z[:, 0]

# --- scband reference (transcript-rebuilt; emitter-appended) ---
"""Pipeline reference for scband-gra-nny-vi-pe-r-23210003268307 (READ-ONLY COPY).

The authoritative reference and input builder live on the scoring server;
editing this copy changes nothing except your own understanding.
"""

import math
import jax, jax.numpy as jnp
import numpy as np

N = 10000
E = 320000
D = 128
G = 64
RATIO = 0.8

def _sage(x, src, dst, W, b, Wu):
    # SAGEConv with aggr='max': remove_self_loops + add_self_loops is equivalent
    # (under max aggregation, which is idempotent) to appending one self loop per node.
    n = x.shape[0]
    loops = jnp.arange(n, dtype=src.dtype)
    s = jnp.concatenate([src, loops])
    d = jnp.concatenate([dst, loops])
    msg = jax.nn.relu(x[s] @ W + b)
    aggr = jax.ops.segment_max(msg, d, num_segments=n + 1)[:n]
    aggr = jnp.where(jnp.isfinite(aggr), aggr, 0.0)
    return jax.nn.relu(jnp.concatenate([aggr, x], axis=1) @ Wu)

def _topk_pool(x, src, dst, batch, p, ratio):
    # TopKPooling: score = x.p/||p||, keep top ceil(ratio*n) nodes, scale kept x by tanh(score).
    # Edges with a dropped endpoint are routed to a dummy node (index k) which is sliced off
    # inside _sage, reproducing edge filtering with static shapes.
    n = x.shape[0]
    k = int(math.ceil(ratio * n))
    y = x @ p / jnp.linalg.norm(p)
    vals, perm = jax.lax.top_k(y, k)
    x_new = x[perm] * jnp.tanh(vals)[:, None]
    batch_new = batch[perm]
    mapping = jnp.full((n + 1,), -1, dtype=jnp.int32).at[perm].set(jnp.arange(k, dtype=jnp.int32))
    ns = mapping[src]
    nd = mapping[dst]
    valid = (ns >= 0) & (nd >= 0)
    new_src = jnp.where(valid, ns, 0)
    new_dst = jnp.where(valid, nd, k)
    return x_new, new_src, new_dst, batch_new

def _readout(x, batch):
    # cat([global_max_pool, global_mean_pool])
    mx = jax.ops.segment_max(x, batch, num_segments=G)
    mx = jnp.where(jnp.isfinite(mx), mx, 0.0)
    s = jax.ops.segment_sum(x, batch, num_segments=G)
    cnt = jax.ops.segment_sum(jnp.ones((x.shape[0], 1), dtype=x.dtype), batch, num_segments=G)
    mean = s / jnp.maximum(cnt, 1.0)
    return jnp.concatenate([mx, mean], axis=1)

def _forward(x, edge_index, batch, W_lin1, b_lin1, W_upd1, p1, W_lin2, b_lin2, W_upd2, p2, W_lin3, b_lin3, W_upd3, p3, W1, b1, W2, b2, W3, b3):
    src = edge_index[0]
    dst = edge_index[1]
    h = jax.nn.relu(_sage(x, src, dst, W_lin1, b_lin1, W_upd1))
    h, src, dst, bv = _topk_pool(h, src, dst, batch, p1, RATIO)
    x1 = _readout(h, bv)
    h = jax.nn.relu(_sage(h, src, dst, W_lin2, b_lin2, W_upd2))
    h, src, dst, bv = _topk_pool(h, src, dst, bv, p2, RATIO)
    x2 = _readout(h, bv)
    h = jax.nn.relu(_sage(h, src, dst, W_lin3, b_lin3, W_upd3))
    h, src, dst, bv = _topk_pool(h, src, dst, bv, p3, RATIO)
    x3 = _readout(h, bv)
    z = x1 + x2 + x3
    z = jax.nn.relu(z @ W1 + b1)
    z = jax.nn.relu(z @ W2 + b2)
    # dropout p=0.5 is identity in eval mode
    z = jax.nn.sigmoid(z @ W3 + b3)
    return z[:, 0]

def setup_inputs(seed: int = 0):
    key = jax.random.key(seed)
    ks = jax.random.split(key, 20)
    def gl(k, shp, fan_in):
        return (jax.random.normal(k, shp, dtype=jnp.float32) / np.sqrt(fan_in)).astype(jnp.float32)
    inp = {}
    inp["x"] = jax.random.normal(ks[0], (N, D), dtype=jnp.float32)
    inp["edge_index"] = jax.random.randint(ks[1], (2, E), 0, N, dtype=jnp.int32)
    inp["batch"] = jnp.sort(jax.random.randint(ks[2], (N,), 0, G, dtype=jnp.int32))
    inp["W_lin1"] = gl(ks[3], (D, 128), D)
    inp["b_lin1"] = jnp.zeros((128,), dtype=jnp.float32)
    inp["W_upd1"] = gl(ks[4], (256, 128), 256)
    inp["p1"] = gl(ks[5], (128,), 128)
    inp["W_lin2"] = gl(ks[6], (128, 128), 128)
    inp["b_lin2"] = jnp.zeros((128,), dtype=jnp.float32)
    inp["W_upd2"] = gl(ks[7], (256, 128), 256)
    inp["p2"] = gl(ks[8], (128,), 128)
    inp["W_lin3"] = gl(ks[9], (128, 128), 128)
    inp["b_lin3"] = jnp.zeros((128,), dtype=jnp.float32)
    inp["W_upd3"] = gl(ks[10], (256, 128), 256)
    inp["p3"] = gl(ks[11], (128,), 128)
    inp["W1"] = gl(ks[12], (256, 128), 256)
    inp["b1"] = jnp.zeros((128,), dtype=jnp.float32)
    inp["W2"] = gl(ks[13], (128, 64), 128)
    inp["b2"] = jnp.zeros((64,), dtype=jnp.float32)
    inp["W3"] = gl(ks[14], (64, 1), 64)
    inp["b3"] = jnp.zeros((1,), dtype=jnp.float32)
    return inp

def reference(x, edge_index, batch, W_lin1, b_lin1, W_upd1, p1, W_lin2, b_lin2, W_upd2, p2, W_lin3, b_lin3, W_upd3, p3, W1, b1, W2, b2, W3, b3):
    return _forward(x, edge_index, batch, W_lin1, b_lin1, W_upd1, p1, W_lin2, b_lin2, W_upd2, p2, W_lin3, b_lin3, W_upd3, p3, W1, b1, W2, b2, W3, b3)

if __name__ == "__main__":
    import jax
    _d = setup_inputs()
    print(jax.jit(kernel)(*tuple(_d.values())))

</pallas_src>

<mosaic_0001>
#map = affine_map<(d0, d1) -> (0)>
module attributes {stable_mosaic.version = 14 : i64} {
  func.func @_bck_body(%arg0: i32, %arg1: i32, %arg2: memref<320000xi32, #tpu.memory_space<hbm>>, %arg3: memref<320000xi32, #tpu.memory_space<hbm>>, %arg4: memref<5456384xi32, #tpu.memory_space<hbm>>, %arg5: memref<5456896xi32, #tpu.memory_space<hbm>>, %arg6: memref<4000xi32, #tpu.memory_space<vmem>>, %arg7: memref<4000xi32, #tpu.memory_space<vmem>>, %arg8: memref<256xi32, #tpu.memory_space<vmem>>, %arg9: memref<256xi32, #tpu.memory_space<vmem>>, %arg10: memref<16xi32, #tpu.memory_space<vmem>>, %arg11: memref<8xi32, #tpu.memory_space<smem>>) attributes {dimension_semantics = [#tpu.dimension_semantics<core_parallel>, #tpu.dimension_semantics<subcore_parallel>], iteration_bounds = array<i64: 2, 16>, scalar_prefetch = 0 : i64, scratch_operands = 6 : i64, tpu.core_type = #tpu.core_type<sc_vector_subcore>, window_params = [{transform_indices = #map}, {transform_indices = #map}, {transform_indices = #map}, {transform_indices = #map}]} {
    %mul3A = arith.constant 2 : i32
    %mul3A_0 = arith.muli %arg1, %mul3A : i32
    %add3A = arith.addi %mul3A_0, %arg0 : i32
    %mul3A_1 = arith.constant 640 : i32
    %mul3A_2 = arith.muli %arg1, %mul3A_1 : i32
    %mul3A_3 = arith.constant 170512 : i32
    %mul3A_4 = arith.muli %add3A, %mul3A_3 : i32
    %scan3A = arith.constant 0 : i32
    %scan3A_5 = arith.constant 16 : i32
    %scan3A_6 = arith.addi %scan3A, %scan3A_5 : i32
    %scan3A_7 = arith.constant 1 : i32
    scf.for %scan3A_82 = %scan3A to %scan3A_6 step %scan3A_7  : i32 {
      %mul3A_83 = arith.constant 16 : i32
      %mul3A_84 = arith.muli %scan3A_82, %mul3A_83 : i32
      %add3A_85 = arith.constant 0 : i32
      %add3A_86 = arith.addi %add3A_85, %mul3A_84 : i32
      %broadcast_in_dim3A_87 = vector.broadcast %mul3A_2 : i32 to vector<16xi32>
      %swap3A_88 = arith.index_cast %add3A_86 : i32 to index
      %swap3A_89 = tpu.vector_load %arg8[%swap3A_88] {strides = array<i32>} : memref<256xi32, #tpu.memory_space<vmem>>, vector<16xi32>,
      tpu.vector_store %arg8[%swap3A_88], %broadcast_in_dim3A_87 {strides = array<i32>} : memref<256xi32, #tpu.memory_space<vmem>>, vector<16xi32>,
      %broadcast_in_dim3A_90 = arith.constant 0 : i32
      %broadcast_in_dim3A_91 = vector.broadcast %broadcast_in_dim3A_90 : i32 to vector<16xi32>
      %swap3A_92 = arith.index_cast %add3A_86 : i32 to index
      %swap3A_93 = tpu.vector_load %arg9[%swap3A_92] {strides = array<i32>} : memref<256xi32, #tpu.memory_space<vmem>>, vector<16xi32>,
      tpu.vector_store %arg9[%swap3A_92], %broadcast_in_dim3A_91 {strides = array<i32>} : memref<256xi32, #tpu.memory_space<vmem>>, vector<16xi32>,
    }
    %scan3A_8 = arith.constant 16 : i32
    %swap3A = arith.constant 0 : i32
    %swap3A_9 = arith.constant 0 : i32
    %swap3A_10 = arith.index_cast %swap3A_9 : i32 to index
    %swap3A_11 = memref.load %arg11[%swap3A_10] : memref<8xi32, #tpu.memory_space<smem>>
    memref.store %swap3A, %arg11[%swap3A_10] : memref<8xi32, #tpu.memory_space<smem>>
    %swap3A_12 = arith.constant 0 : i32
    %swap3A_13 = arith.constant 1 : i32
    %swap3A_14 = arith.index_cast %swap3A_13 : i32 to index
    %swap3A_15 = memref.load %arg11[%swap3A_14] : memref<8xi32, #tpu.memory_space<smem>>
    memref.store %swap3A_12, %arg11[%swap3A_14] : memref<8xi32, #tpu.memory_space<smem>>
    %scan3A_16 = arith.constant 0 : i32
    %scan3A_17 = arith.constant 40 : i32
    %scan3A_18 = arith.addi %scan3A_16, %scan3A_17 : i32
    %scan3A_19 = arith.constant 1 : i32
    scf.for %scan3A_82 = %scan3A_16 to %scan3A_18 step %scan3A_19  : i32 {
      %mul3A_83 = arith.constant 1 : i32
      %mul3A_84 = arith.muli %scan3A_82, %mul3A_83 : i32
      %add3A_85 = arith.constant 0 : i32
      %add3A_86 = arith.addi %add3A_85, %mul3A_84 : i32
      %mul3A_87 = arith.constant 160000 : i32
      %mul3A_88 = arith.muli %arg0, %mul3A_87 : i32
      %mul3A_89 = arith.constant 4000 : i32
      %mul3A_90 = arith.muli %add3A_86, %mul3A_89 : i32
      %add3A_91 = arith.addi %mul3A_88, %mul3A_90 : i32
      "tpu.region"() ({
        %run_scoped3A = tpu.sem_alloc : memref<!tpu.dma_semaphore, #tpu.memory_space<semaphore_mem>>
        %dma_start3A = tpu.memref_slice %arg3[%add3A_91] : memref<320000xi32, #tpu.memory_space<hbm>> -> memref<4000xi32, #tpu.memory_space<hbm>>
        %dma_start3A_102 = tpu.memref_slice %arg3[%add3A_91] : memref<320000xi32, #tpu.memory_space<hbm>> -> memref<4000xi32, #tpu.memory_space<hbm>>
        tpu.enqueue_dma source(%dma_start3A_102 : memref<4000xi32, #tpu.memory_space<hbm>>) target(%arg6 : memref<4000xi32, #tpu.memory_space<vmem>>) target_semaphore(%run_scoped3A : memref<!tpu.dma_semaphore, #tpu.memory_space<semaphore_mem>>)
        %dma_wait3A = tpu.memref_slice %arg3[%add3A_91] : memref<320000xi32, #tpu.memory_space<hbm>> -> memref<4000xi32, #tpu.memory_space<hbm>>
        %dma_wait3A_103 = tpu.memref_slice %arg3[%add3A_91] : memref<320000xi32, #tpu.memory_space<hbm>> -> memref<4000xi32, #tpu.memory_space<hbm>>
        tpu.wait_dma2 semaphore(%run_scoped3A : memref<!tpu.dma_semaphore, #tpu.memory_space<semaphore_mem>>) src(%dma_wait3A_103 : memref<4000xi32, #tpu.memory_space<hbm>>) dst(%arg6 : memref<4000xi32, #tpu.memory_space<vmem>>)
        tpu.yield
      }) : () -> ()
      %mul3A_92 = arith.constant 160000 : i32
      %mul3A_93 = arith.muli %arg0, %mul3A_92 : i32
      %mul3A_94 = arith.constant 4000 : i32
      %mul3A_95 = arith.muli %add3A_86, %mul3A_94 : i32
      %add3A_96 = arith.addi %mul3A_93, %mul3A_95 : i32
      "tpu.region"() ({
        %run_scoped3A = tpu.sem_alloc : memref<!tpu.dma_semaphore, #tpu.memory_space<semaphore_mem>>
        %dma_start3A = tpu.memref_slice %arg2[%add3A_96] : memref<320000xi32, #tpu.memory_space<hbm>> -> memref<4000xi32, #tpu.memory_space<hbm>>
        %dma_start3A_102 = tpu.memref_slice %arg2[%add3A_96] : memref<320000xi32, #tpu.memory_space<hbm>> -> memref<4000xi32, #tpu.memory_space<hbm>>
        tpu.enqueue_dma source(%dma_start3A_102 : memref<4000xi32, #tpu.memory_space<hbm>>) target(%arg7 : memref<4000xi32, #tpu.memory_space<vmem>>) target_semaphore(%run_scoped3A : memref<!tpu.dma_semaphore, #tpu.memory_space<semaphore_mem>>)
        %dma_wait3A = tpu.memref_slice %arg2[%add3A_96] : memref<320000xi32, #tpu.memory_space<hbm>> -> memref<4000xi32, #tpu.memory_space<hbm>>
        %dma_wait3A_103 = tpu.memref_slice %arg2[%add3A_96] : memref<320000xi32, #tpu.memory_space<hbm>> -> memref<4000xi32, #tpu.memory_space<hbm>>
        tpu.wait_dma2 semaphore(%run_scoped3A : memref<!tpu.dma_semaphore, #tpu.memory_space<semaphore_mem>>) src(%dma_wait3A_103 : memref<4000xi32, #tpu.memory_space<hbm>>) dst(%arg7 : memref<4000xi32, #tpu.memory_space<vmem>>)
        tpu.yield
      }) : () -> ()
      %scan3A_97 = arith.constant 0 : i32
      %scan3A_98 = arith.constant 250 : i32
      %scan3A_99 = arith.addi %scan3A_97, %scan3A_98 : i32
      %scan3A_100 = arith.constant 1 : i32
      scf.for %scan3A_102 = %scan3A_97 to %scan3A_99 step %scan3A_100  : i32 {
        %mul3A_103 = arith.constant 16 : i32
        %mul3A_104 = arith.muli %scan3A_102, %mul3A_103 : i32
        %add3A_105 = arith.constant 0 : i32
        %add3A_106 = arith.addi %add3A_105, %mul3A_104 : i32
        %get3A_107 = arith.index_cast %add3A_106 : i32 to index
        %get3A_108 = tpu.vector_load %arg6[%get3A_107] {strides = array<i32>} : memref<4000xi32, #tpu.memory_space<vmem>>, vector<16xi32>,
        %ge3A = vector.broadcast %mul3A_2 : i32 to vector<16xi32>
        %ge3A_109 = arith.cmpi sge, %get3A_108, %ge3A : vector<16xi32>
        %add3A_110 = arith.constant 640 : i32
        %add3A_111 = arith.addi %mul3A_2, %add3A_110 : i32
        %lt3A = vector.broadcast %add3A_111 : i32 to vector<16xi32>
        %lt3A_112 = arith.cmpi slt, %get3A_108, %lt3A : vector<16xi32>
        %and3A_113 = arith.andi %ge3A_109, %lt3A_112 : vector<16xi1>
        %convert_element_type3A = arith.extui %and3A_113 : vector<16xi1> to vector<16xi32>
        %reduce_max3A = arith.constant true
        %reduce_max3A_114 = vector.broadcast %reduce_max3A : i1 to vector<16xi1>
        %reduce_max3A_115 = arith.constant -2147483648 : i32
        %reduce_max3A_116 = vector.broadcast %reduce_max3A_115 : i32 to vector<16xi32>
        %reduce_max3A_117 = arith.xori %convert_element_type3A, %reduce_max3A_116 : vector<16xi32>
        %reduce_max3A_118 = tpu.scan <max>, %reduce_max3A_117 masked %reduce_max3A_114 : vector<16xi32>, vector<16xi1> -> vector<16xi32>
        %reduce_max3A_119 = arith.xori %reduce_max3A_118, %reduce_max3A_116 : vector<16xi32>
        %reduce_max3A_120 = vector.extract %reduce_max3A_119[15] : i32 from vector<16xi32>
        %gt3A = arith.constant 0 : i32
        %gt3A_121 = arith.cmpi sgt, %reduce_max3A_120, %gt3A : i32
        %convert_element_type3A_122 = arith.extui %gt3A_121 : i1 to i32
        %cond3A = arith.constant 0 : i32
        %cond3A_123 = arith.cmpi ne, %convert_element_type3A_122, %cond3A : i32
        scf.if %cond3A_123 {
          %convert_element_type3A_124 = arith.extui %and3A_113 : vector<16xi1> to vector<16xi32>
          %broadcast_in_dim3A_125 = arith.constant true
          %broadcast_in_dim3A_126 = vector.broadcast %broadcast_in_dim3A_125 : i1 to vector<16xi1>
          %masked_cumsum3A = tpu.scan <sum>, %convert_element_type3A_124 masked %broadcast_in_dim3A_126 : vector<16xi32>, vector<16xi1> -> vector<16xi32>
          %get3A_127 = arith.constant 0 : i32
          %get3A_128 = arith.index_cast %get3A_127 : i32 to index
          %get3A_129 = memref.load %arg11[%get3A_128] : memref<8xi32, #tpu.memory_space<smem>>
          %sub3A_130 = arith.subi %masked_cumsum3A, %convert_element_type3A_124 : vector<16xi32>
          %add3A_131 = vector.broadcast %get3A_129 : i32 to vector<16xi32>
          %add3A_132 = arith.addi %sub3A_130, %add3A_131 : vector<16xi32>
          %get3A_133 = arith.index_cast %add3A_106 : i32 to index
          %get3A_134 = tpu.vector_load %arg7[%get3A_133] {strides = array<i32>} : memref<4000xi32, #tpu.memory_space<vmem>>, vector<16xi32>,
          tpu.vector_store_idx %arg8[%add3A_132], %get3A_134 masked %and3A_113 : memref<256xi32, #tpu.memory_space<vmem>>[vector<16xi32>], vector<16xi32>, vector<16xi1>
          %sub3A_135 = vector.broadcast %mul3A_2 : i32 to vector<16xi32>
          %sub3A_136 = arith.subi %get3A_108, %sub3A_135 : vector<16xi32>
          tpu.vector_store_idx %arg9[%add3A_132], %sub3A_136 masked %and3A_113 : memref<256xi32, #tpu.memory_space<vmem>>[vector<16xi32>], vector<16xi32>, vector<16xi1>
          %reduce_max3A_137 = arith.constant true
          %reduce_max3A_138 = vector.broadcast %reduce_max3A_137 : i1 to vector<16xi1>
          %reduce_max3A_139 = arith.constant -2147483648 : i32
          %reduce_max3A_140 = vector.broadcast %reduce_max3A_139 : i32 to vector<16xi32>
          %reduce_max3A_141 = arith.xori %masked_cumsum3A, %reduce_max3A_140 : vector<16xi32>
          %reduce_max3A_142 = tpu.scan <max>, %reduce_max3A_141 masked %reduce_max3A_138 : vector<16xi32>, vector<16xi1> -> vector<16xi32>
          %reduce_max3A_143 = arith.xori %reduce_max3A_142, %reduce_max3A_140 : vector<16xi32>
          %reduce_max3A_144 = vector.extract %reduce_max3A_143[15] : i32 from vector<16xi32>
          %add3A_145 = arith.addi %get3A_129, %reduce_max3A_144 : i32
          %swap3A_146 = arith.constant 0 : i32
          %swap3A_147 = arith.index_cast %swap3A_146 : i32 to index
          %swap3A_148 = memref.load %arg11[%swap3A_147] : memref<8xi32, #tpu.memory_space<smem>>
          memref.store %add3A_145, %arg11[%swap3A_147] : memref<8xi32, #tpu.memory_space<smem>>
          %get3A_149 = arith.constant 0 : i32
          %get3A_150 = arith.index_cast %get3A_149 : i32 to index
          %get3A_151 = memref.load %arg11[%get3A_150] : memref<8xi32, #tpu.memory_space<smem>>
          %ge3A_152 = arith.constant 240 : i32
          %ge3A_153 = arith.cmpi sge, %get3A_151, %ge3A_152 : i32
          %convert_element_type3A_154 = arith.extui %ge3A_153 : i1 to i32
          %cond3A_155 = arith.constant 0 : i32
          %cond3A_156 = arith.cmpi ne, %convert_element_type3A_154, %cond3A_155 : i32
          scf.if %cond3A_156 {
            %get3A_157 = arith.constant 1 : i32
            %get3A_158 = arith.index_cast %get3A_157 : i32 to index
            %get3A_159 = memref.load %arg11[%get3A_158] : memref<8xi32, #tpu.memory_space<smem>>
            %mul3A_160 = arith.constant 16 : i32
            %mul3A_161 = arith.muli %get3A_159, %mul3A_160 : i32
            %add3A_162 = arith.addi %mul3A_4, %mul3A_161 : i32
            "tpu.region"() ({
              %run_scoped3A = tpu.sem_alloc : memref<!tpu.dma_semaphore, #tpu.memory_space<semaphore_mem>>
              %dma_start3A = tpu.memref_slice %arg4[%add3A_162] : memref<5456384xi32, #tpu.memory_space<hbm>> -> memref<256xi32, #tpu.memory_space<hbm>>
              %dma_start3A_204 = tpu.memref_slice %arg4[%add3A_162] : memref<5456384xi32, #tpu.memory_space<hbm>> -> memref<256xi32, #tpu.memory_space<hbm>>
              tpu.enqueue_dma source(%arg8 : memref<256xi32, #tpu.memory_space<vmem>>) target(%dma_start3A_204 : memref<256xi32, #tpu.memory_space<hbm>>) target_semaphore(%run_scoped3A : memref<!tpu.dma_semaphore, #tpu.memory_space<semaphore_mem>>)
              %dma_wait3A = tpu.memref_slice %arg4[%add3A_162] : memref<5456384xi32, #tpu.memory_space<hbm>> -> memref<256xi32, #tpu.memory_space<hbm>>
              %dma_wait3A_205 = tpu.memref_slice %arg4[%add3A_162] : memref<5456384xi32, #tpu.memory_space<hbm>> -> memref<256xi32, #tpu.memory_space<hbm>>
              tpu.wait_dma2 semaphore(%run_scoped3A : memref<!tpu.dma_semaphore, #tpu.memory_space<semaphore_mem>>) src(%arg8 : memref<256xi32, #tpu.memory_space<vmem>>) dst(%dma_wait3A_205 : memref<256xi32, #tpu.memory_space<hbm>>)
              tpu.yield
            }) : () -> ()
            %add3A_163 = arith.addi %mul3A_4, %mul3A_161 : i32
            "tpu.region"() ({
              %run_scoped3A = tpu.sem_alloc : memref<!tpu.dma_semaphore, #tpu.memory_space<semaphore_mem>>
              %dma_start3A = tpu.memref_slice %arg5[%add3A_163] : memref<5456896xi32, #tpu.memory_space<hbm>> -> memref<256xi32, #tpu.memory_space<hbm>>
              %dma_start3A_204 = tpu.memref_slice %arg5[%add3A_163] : memref<5456896xi32, #tpu.memory_space<hbm>> -> memref<256xi32, #tpu.memory_space<hbm>>
              tpu.enqueue_dma source(%arg9 : memref<256xi32, #tpu.memory_space<vmem>>) target(%dma_start3A_204 : memref<256xi32, #tpu.memory_space<hbm>>) target_semaphore(%run_scoped3A : memref<!tpu.dma_semaphore, #tpu.memory_space<semaphore_mem>>)
              %dma_wait3A = tpu.memref_slice %arg5[%add3A_163] : memref<5456896xi32, #tpu.memory_space<hbm>> -> memref<256xi32, #tpu.memory_space<hbm>>
              %dma_wait3A_205 = tpu.memref_slice %arg5[%add3A_163] : memref<5456896xi32, #tpu.memory_space<hbm>> -> memref<256xi32, #tpu.memory_space<hbm>>
              tpu.wait_dma2 semaphore(%run_scoped3A : memref<!tpu.dma_semaphore, #tpu.memory_space<semaphore_mem>>) src(%arg9 : memref<256xi32, #tpu.memory_space<vmem>>) dst(%dma_wait3A_205 : memref<256xi32, #tpu.memory_space<hbm>>)
              tpu.yield
            }) : () -> ()
            %get3A_164 = arith.constant 1 : i32
            %get3A_165 = arith.index_cast %get3A_164 : i32 to index
            %get3A_166 = memref.load %arg11[%get3A_165] : memref<8xi32, #tpu.memory_space<smem>>
            %get3A_167 = arith.constant 0 : i32
            %get3A_168 = arith.index_cast %get3A_167 : i32 to index
            %get3A_169 = memref.load %arg11[%get3A_168] : memref<8xi32, #tpu.memory_space<smem>>
            %add3A_170 = arith.constant 15 : i32
            %add3A_171 = arith.addi %get3A_169, %add3A_170 : i32
            %jit3A_172 = arith.constant 16 : i32
            %div3A_173 = arith.divsi %add3A_171, %jit3A_172 : i32
            %sign3A_174 = arith.constant 0 : i32
            %sign3A_175 = arith.cmpi sgt, %add3A_171, %sign3A_174 : i32
            %sign3A_176 = arith.extui %sign3A_175 : i1 to i32
            %sign3A_177 = arith.constant 0 : i32
            %sign3A_178 = arith.cmpi slt, %add3A_171, %sign3A_177 : i32
            %sign3A_179 = arith.extui %sign3A_178 : i1 to i32
            %sign3A_180 = arith.subi %sign3A_176, %sign3A_179 : i32
            %sign3A_181 = arith.constant 0 : i32
            %sign3A_182 = arith.cmpi sgt, %jit3A_172, %sign3A_181 : i32
            %sign3A_183 = arith.extui %sign3A_182 : i1 to i32
            %sign3A_184 = arith.constant 0 : i32
            %sign3A_185 = arith.cmpi slt, %jit3A_172, %sign3A_184 : i32
            %sign3A_186 = arith.extui %sign3A_185 : i1 to i32
            %sign3A_187 = arith.subi %sign3A_183, %sign3A_186 : i32
            %ne3A_188 = arith.cmpi ne, %sign3A_180, %sign3A_187 : i32
            %rem3A_189 = arith.remsi %add3A_171, %jit3A_172 : i32
            %ne3A_190 = arith.constant 0 : i32
            %ne3A_191 = arith.cmpi ne, %rem3A_189, %ne3A_190 : i32
            %and3A_192 = arith.andi %ne3A_188, %ne3A_191 : i1
            %sub3A_193 = arith.constant 1 : i32
            %sub3A_194 = arith.subi %div3A_173, %sub3A_193 : i32
            %select_n3A_195 = arith.select %and3A_192, %sub3A_194, %div3A_173 : i32
            %add3A_196 = arith.addi %get3A_166, %select_n3A_195 : i32
            %swap3A_197 = arith.constant 1 : i32
            %swap3A_198 = arith.index_cast %swap3A_197 : i32 to index
            %swap3A_199 = memref.load %arg11[%swap3A_198] : memref<8xi32, #tpu.memory_space<smem>>
            memref.store %add3A_196, %arg11[%swap3A_198] : memref<8xi32, #tpu.memory_space<smem>>
            %swap3A_200 = arith.constant 0 : i32
            %swap3A_201 = arith.constant 0 : i32
            %swap3A_202 = arith.index_cast %swap3A_201 : i32 to index
            %swap3A_203 = memref.load %arg11[%swap3A_202] : memref<8xi32, #tpu.memory_space<smem>>
            memref.store %swap3A_200, %arg11[%swap3A_202] : memref<8xi32, #tpu.memory_space<smem>>
          } else {
          }
        } else {
        }
      }
      %scan3A_101 = arith.constant 250 : i32
    }
    %scan3A_20 = arith.constant 40 : i32
    %get3A = arith.constant 1 : i32
    %get3A_21 = arith.index_cast %get3A : i32 to index
    %get3A_22 = memref.load %arg11[%get3A_21] : memref<8xi32, #tpu.memory_space<smem>>
    %mul3A_23 = arith.constant 16 : i32
    %mul3A_24 = arith.muli %get3A_22, %mul3A_23 : i32
    %add3A_25 = arith.addi %mul3A_4, %mul3A_24 : i32
    "tpu.region"() ({
      %run_scoped3A = tpu.sem_alloc : memref<!tpu.dma_semaphore, #tpu.memory_space<semaphore_mem>>
      %dma_start3A = tpu.memref_slice %arg4[%add3A_25] : memref<5456384xi32, #tpu.memory_space<hbm>> -> memref<256xi32, #tpu.memory_space<hbm>>
      %dma_start3A_82 = tpu.memref_slice %arg4[%add3A_25] : memref<5456384xi32, #tpu.memory_space<hbm>> -> memref<256xi32, #tpu.memory_space<hbm>>
      tpu.enqueue_dma source(%arg8 : memref<256xi32, #tpu.memory_space<vmem>>) target(%dma_start3A_82 : memref<256xi32, #tpu.memory_space<hbm>>) target_semaphore(%run_scoped3A : memref<!tpu.dma_semaphore, #tpu.memory_space<semaphore_mem>>)
      %dma_wait3A = tpu.memref_slice %arg4[%add3A_25] : memref<5456384xi32, #tpu.memory_space<hbm>> -> memref<256xi32, #tpu.memory_space<hbm>>
      %dma_wait3A_83 = tpu.memref_slice %arg4[%add3A_25] : memref<5456384xi32, #tpu.memory_space<hbm>> -> memref<256xi32, #tpu.memory_space<hbm>>
      tpu.wait_dma2 semaphore(%run_scoped3A : memref<!tpu.dma_semaphore, #tpu.memory_space<semaphore_mem>>) src(%arg8 : memref<256xi32, #tpu.memory_space<vmem>>) dst(%dma_wait3A_83 : memref<256xi32, #tpu.memory_space<hbm>>)
      tpu.yield
    }) : () -> ()
    %add3A_26 = arith.addi %mul3A_4, %mul3A_24 : i32
    "tpu.region"() ({
      %run_scoped3A = tpu.sem_alloc : memref<!tpu.dma_semaphore, #tpu.memory_space<semaphore_mem>>
      %dma_start3A = tpu.memref_slice %arg5[%add3A_26] : memref<5456896xi32, #tpu.memory_space<hbm>> -> memref<256xi32, #tpu.memory_space<hbm>>
      %dma_start3A_82 = tpu.memref_slice %arg5[%add3A_26] : memref<5456896xi32, #tpu.memory_space<hbm>> -> memref<256xi32, #tpu.memory_space<hbm>>
      tpu.enqueue_dma source(%arg9 : memref<256xi32, #tpu.memory_space<vmem>>) target(%dma_start3A_82 : memref<256xi32, #tpu.memory_space<hbm>>) target_semaphore(%run_scoped3A : memref<!tpu.dma_semaphore, #tpu.memory_space<semaphore_mem>>)
      %dma_wait3A = tpu.memref_slice %arg5[%add3A_26] : memref<5456896xi32, #tpu.memory_space<hbm>> -> memref<256xi32, #tpu.memory_space<hbm>>
      %dma_wait3A_83 = tpu.memref_slice %arg5[%add3A_26] : memref<5456896xi32, #tpu.memory_space<hbm>> -> memref<256xi32, #tpu.memory_space<hbm>>
      tpu.wait_dma2 semaphore(%run_scoped3A : memref<!tpu.dma_semaphore, #tpu.memory_space<semaphore_mem>>) src(%arg9 : memref<256xi32, #tpu.memory_space<vmem>>) dst(%dma_wait3A_83 : memref<256xi32, #tpu.memory_space<hbm>>)
      tpu.yield
    }) : () -> ()
    %get3A_27 = arith.constant 1 : i32
    %get3A_28 = arith.index_cast %get3A_27 : i32 to index
    %get3A_29 = memref.load %arg11[%get3A_28] : memref<8xi32, #tpu.memory_space<smem>>
    %get3A_30 = arith.constant 0 : i32
    %get3A_31 = arith.index_cast %get3A_30 : i32 to index
    %get3A_32 = memref.load %arg11[%get3A_31] : memref<8xi32, #tpu.memory_space<smem>>
    %add3A_33 = arith.constant 15 : i32
    %add3A_34 = arith.addi %get3A_32, %add3A_33 : i32
    %jit3A = arith.constant 16 : i32
    %div3A = arith.divsi %add3A_34, %jit3A : i32
    %sign3A = arith.constant 0 : i32
    %sign3A_35 = arith.cmpi sgt, %add3A_34, %sign3A : i32
    %sign3A_36 = arith.extui %sign3A_35 : i1 to i32
    %sign3A_37 = arith.constant 0 : i32
    %sign3A_38 = arith.cmpi slt, %add3A_34, %sign3A_37 : i32
    %sign3A_39 = arith.extui %sign3A_38 : i1 to i32
    %sign3A_40 = arith.subi %sign3A_36, %sign3A_39 : i32
    %sign3A_41 = arith.constant 0 : i32
    %sign3A_42 = arith.cmpi sgt, %jit3A, %sign3A_41 : i32
    %sign3A_43 = arith.extui %sign3A_42 : i1 to i32
    %sign3A_44 = arith.constant 0 : i32
    %sign3A_45 = arith.cmpi slt, %jit3A, %sign3A_44 : i32
    %sign3A_46 = arith.extui %sign3A_45 : i1 to i32
    %sign3A_47 = arith.subi %sign3A_43, %sign3A_46 : i32
    %ne3A = arith.cmpi ne, %sign3A_40, %sign3A_47 : i32
    %rem3A = arith.remsi %add3A_34, %jit3A : i32
    %ne3A_48 = arith.constant 0 : i32
    %ne3A_49 = arith.cmpi ne, %rem3A, %ne3A_48 : i32
    %and3A = arith.andi %ne3A, %ne3A_49 : i1
    %sub3A = arith.constant 1 : i32
    %sub3A_50 = arith.subi %div3A, %sub3A : i32
    %select_n3A = arith.select %and3A, %sub3A_50, %div3A : i32
    %add3A_51 = arith.addi %get3A_29, %select_n3A : i32
    %swap3A_52 = arith.constant 1 : i32
    %swap3A_53 = arith.index_cast %swap3A_52 : i32 to index
    %swap3A_54 = memref.load %arg11[%swap3A_53] : memref<8xi32, #tpu.memory_space<smem>>
    memref.store %add3A_51, %arg11[%swap3A_53] : memref<8xi32, #tpu.memory_space<smem>>
    %swap3A_55 = arith.constant 0 : i32
    %swap3A_56 = arith.constant 0 : i32
    %swap3A_57 = arith.index_cast %swap3A_56 : i32 to index
    %swap3A_58 = memref.load %arg11[%swap3A_57] : memref<8xi32, #tpu.memory_space<smem>>
    memref.store %swap3A_55, %arg11[%swap3A_57] : memref<8xi32, #tpu.memory_space<smem>>
    %get3A_59 = arith.constant 1 : i32
    %get3A_60 = arith.index_cast %get3A_59 : i32 to index
    %get3A_61 = memref.load %arg11[%get3A_60] : memref<8xi32, #tpu.memory_space<smem>>
    %mul3A_62 = arith.constant 16 : i32
    %mul3A_63 = arith.muli %get3A_61, %mul3A_62 : i32
    %add3A_64 = arith.addi %mul3A_4, %mul3A_63 : i32
    "tpu.region"() ({
      %run_scoped3A = tpu.sem_alloc : memref<!tpu.dma_semaphore, #tpu.memory_space<semaphore_mem>>
      %dma_start3A = tpu.memref_slice %arg4[%add3A_64] : memref<5456384xi32, #tpu.memory_space<hbm>> -> memref<256xi32, #tpu.memory_space<hbm>>
      %dma_start3A_82 = tpu.memref_slice %arg4[%add3A_64] : memref<5456384xi32, #tpu.memory_space<hbm>> -> memref<256xi32, #tpu.memory_space<hbm>>
      tpu.enqueue_dma source(%arg8 : memref<256xi32, #tpu.memory_space<vmem>>) target(%dma_start3A_82 : memref<256xi32, #tpu.memory_space<hbm>>) target_semaphore(%run_scoped3A : memref<!tpu.dma_semaphore, #tpu.memory_space<semaphore_mem>>)
      %dma_wait3A = tpu.memref_slice %arg4[%add3A_64] : memref<5456384xi32, #tpu.memory_space<hbm>> -> memref<256xi32, #tpu.memory_space<hbm>>
      %dma_wait3A_83 = tpu.memref_slice %arg4[%add3A_64] : memref<5456384xi32, #tpu.memory_space<hbm>> -> memref<256xi32, #tpu.memory_space<hbm>>
      tpu.wait_dma2 semaphore(%run_scoped3A : memref<!tpu.dma_semaphore, #tpu.memory_space<semaphore_mem>>) src(%arg8 : memref<256xi32, #tpu.memory_space<vmem>>) dst(%dma_wait3A_83 : memref<256xi32, #tpu.memory_space<hbm>>)
      tpu.yield
    }) : () -> ()
    %get3A_65 = arith.constant 1 : i32
    %get3A_66 = arith.index_cast %get3A_65 : i32 to index
    %get3A_67 = memref.load %arg11[%get3A_66] : memref<8xi32, #tpu.memory_space<smem>>
    %mul3A_68 = arith.constant 16 : i32
    %mul3A_69 = arith.muli %get3A_67, %mul3A_68 : i32
    %add3A_70 = arith.addi %mul3A_4, %mul3A_69 : i32
    "tpu.region"() ({
      %run_scoped3A = tpu.sem_alloc : memref<!tpu.dma_semaphore, #tpu.memory_space<semaphore_mem>>
      %dma_start3A = tpu.memref_slice %arg5[%add3A_70] : memref<5456896xi32, #tpu.memory_space<hbm>> -> memref<256xi32, #tpu.memory_space<hbm>>
      %dma_start3A_82 = tpu.memref_slice %arg5[%add3A_70] : memref<5456896xi32, #tpu.memory_space<hbm>> -> memref<256xi32, #tpu.memory_space<hbm>>
      tpu.enqueue_dma source(%arg9 : memref<256xi32, #tpu.memory_space<vmem>>) target(%dma_start3A_82 : memref<256xi32, #tpu.memory_space<hbm>>) target_semaphore(%run_scoped3A : memref<!tpu.dma_semaphore, #tpu.memory_space<semaphore_mem>>)
      %dma_wait3A = tpu.memref_slice %arg5[%add3A_70] : memref<5456896xi32, #tpu.memory_space<hbm>> -> memref<256xi32, #tpu.memory_space<hbm>>
      %dma_wait3A_83 = tpu.memref_slice %arg5[%add3A_70] : memref<5456896xi32, #tpu.memory_space<hbm>> -> memref<256xi32, #tpu.memory_space<hbm>>
      tpu.wait_dma2 semaphore(%run_scoped3A : memref<!tpu.dma_semaphore, #tpu.memory_space<semaphore_mem>>) src(%arg9 : memref<256xi32, #tpu.memory_space<vmem>>) dst(%dma_wait3A_83 : memref<256xi32, #tpu.memory_space<hbm>>)
      tpu.yield
    }) : () -> ()
    %get3A_71 = arith.constant 1 : i32
    %get3A_72 = arith.index_cast %get3A_71 : i32 to index
    %get3A_73 = memref.load %arg11[%get3A_72] : memref<8xi32, #tpu.memory_space<smem>>
    %mul3A_74 = arith.constant 16 : i32
    %mul3A_75 = arith.muli %get3A_73, %mul3A_74 : i32
    %broadcast_in_dim3A = vector.broadcast %mul3A_75 : i32 to vector<16xi32>
    %swap3A_76 = arith.constant 0 : index
    %swap3A_77 = tpu.vector_load %arg10[%swap3A_76] {strides = array<i32>} : memref<16xi32, #tpu.memory_space<vmem>>, vector<16xi32>,
    tpu.vector_store %arg10[%swap3A_76], %broadcast_in_dim3A {strides = array<i32>} : memref<16xi32, #tpu.memory_space<vmem>>, vector<16xi32>,
    %mul3A_78 = arith.constant 16 : i32
    %mul3A_79 = arith.muli %add3A, %mul3A_78 : i32
    %add3A_80 = arith.constant 5456384 : i32
    %add3A_81 = arith.addi %add3A_80, %mul3A_79 : i32
    "tpu.region"() ({
      %run_scoped3A = tpu.sem_alloc : memref<!tpu.dma_semaphore, #tpu.memory_space<semaphore_mem>>
      %dma_start3A = tpu.memref_slice %arg5[%add3A_81] : memref<5456896xi32, #tpu.memory_space<hbm>> -> memref<16xi32, #tpu.memory_space<hbm>>
      %dma_start3A_82 = tpu.memref_slice %arg5[%add3A_81] : memref<5456896xi32, #tpu.memory_space<hbm>> -> memref<16xi32, #tpu.memory_space<hbm>>
      tpu.enqueue_dma source(%arg10 : memref<16xi32, #tpu.memory_space<vmem>>) target(%dma_start3A_82 : memref<16xi32, #tpu.memory_space<hbm>>) target_semaphore(%run_scoped3A : memref<!tpu.dma_semaphore, #tpu.memory_space<semaphore_mem>>)
      %dma_wait3A = tpu.memref_slice %arg5[%add3A_81] : memref<5456896xi32, #tpu.memory_space<hbm>> -> memref<16xi32, #tpu.memory_space<hbm>>
      %dma_wait3A_83 = tpu.memref_slice %arg5[%add3A_81] : memref<5456896xi32, #tpu.memory_space<hbm>> -> memref<16xi32, #tpu.memory_space<hbm>>
      tpu.wait_dma2 semaphore(%run_scoped3A : memref<!tpu.dma_semaphore, #tpu.memory_space<semaphore_mem>>) src(%arg10 : memref<16xi32, #tpu.memory_space<vmem>>) dst(%dma_wait3A_83 : memref<16xi32, #tpu.memory_space<hbm>>)
      tpu.yield
    }) : () -> ()
    return
  }
}

</mosaic_0001>

<sc_bundles>
// kernel: _bucket.3.cloned.1.call-start
scs
__scs_entry_jumppad:
0x0: {  	(pc) =	sbr.rel $0x88, $3  }
0x1: {  	(tag) =	ssettag $0x0;
	lr =	simm.s32 $0x1  }
0x2: {  	[smem:$0x3F9F] =	sst lr;
	_ =	strace $0xD0000000  }
0x3: {  	_ = 	snop  }
0x4: {  	_ = 	snop  }
0x5: {  	_ = 	snop  }
0x6: {  	_ = 	snop  }
0x7: {  	_ = 	snop  }
__scs_overlays_trampoline_lowered:
0x8: {  	[smem:$0x3FAE] =	sst s0  }
0x9: {  	[smem:$0x3FAF] =	sst s1  }
0xa: {  	[smem:$0x3FB0] =	sst s2  }
0xb: {  	[smem:$0x3FB1] =	sst s3  }
0xc: {  	[smem:$0x3FB2] =	sst s4  }
0xd: {  	[smem:$0x3FB3] =	sst s5  }
0xe: {  	[smem:$0x3FB4] =	sst s6  }
0xf: {  	[smem:$0x3FB5] =	sst s7  }
0x10: {  	[smem:$0x3FB6] =	sst s8  }
0x11: {  	[smem:$0x3FB7] =	sst s9;
	s0 =	simm.s32 @!p0 $0x0  }
0x12: {  	s1 =	sld [smem:$0x3F9D];
	s0 =	simm.s32 @p0 $0x1  }
0x13: {  	[smem:$0x3FB8] =	sst s0;
	s0 =	simm.s32 @!p1 $0x0  }
0x14: {  	s2 =	sld [smem:$0x3F9C];
	s0 =	simm.s32 @p1 $0x1  }
0x15: {  	[smem:$0x3FB9] =	sst s0;
	s0 =	simm.s32 @!p2 $0x0  }
0x16: {  	s3 =	sld [smem:$0x3FDB];
	s0 =	simm.s32 @p2 $0x1  }
0x17: {  	s4 =	simm.s32 $0x1BF5;
	[smem:$0x3FBB] =	sst s0  }
0x18: {  	s0 =	sld [smem:$0x3F9E];
	_ =	swait.ge [sflag:s4], $0x0  }
0x19: {  	s7 =	sld [smem:$0x3F9F]  }
0x1a: {  	s8 =	sadd.s32 $0xFFFFE003, lr  }
0x1b: {  	s9 =	sadd.s32 $0xFFFFFEF7, lr;
	s5 =	simm.s32 $0xFFFFFFFF;
	p2 =	slt.u32 s8, $0xFFFFF086  }
0x1c: {  	p1 =	slt.u32 s9, $0xF7A;
	s5 =	simm.s32 @!p2 $0x0  }
0x1d: {  	s5 =	simm.s32 @p1 $0x1;
	p0 =	seq.s32 s7, s2  }
0x1e: {  	s7 =	smul.u32 @!p0 $0xF7A, s2;
	p2 =	seq.s32 @!p0 s5, $0x0  }
0x1f: {  	s9 =	smul.u32 $0xF7A, s1;
	s8 =	simm.s32 @!p0 $0x1BF5;
	p2 =	por !p2, p0  }
0x20: {  	[sflag:s8] =	ssyncset.s32 @!p0 $0xFFFFF086;
	s6 =	sadd.s32 @!p0 s3, s7;
	s7 =	simm.s32 @!p0 $0x108  }
0x21: {  	s3 =	sadd.s32 s3, s9;
	s6 =	sadd.s32 @!p0 $0x88, s6;
	s7 =	simm.s32 @p2 $0x1082  }
0x22: {  	[simem:s7], [sflag:s8] =	dma.local @!p0 [hbm:s6], $0xF7A  }
0x23: {  	s9 =	sor.u32 $0xD0000000, s2;
	s6 =	simm.s32 $0x108;
	_ =	swait.ge @!p0 [sflag:s8], $0x0  }
0x24: {  	s3 =	sadd.s32 $0x88, s3;
	s6 =	simm.s32 @!p1 $0x1082;
	[sflag:s4] =	ssyncset.s32 $0xFFFFF086  }
0x25: {  	[simem:s6], [sflag:s4] =	dma.local [hbm:s3], $0xF7A  }
0x26: {  	[smem:$0x3F9F] =	sst s1;
	(tag) =	ssettag s2;
	_ =	strace s9  }
0x27: {  	s1 =	sld [smem:$0x3FAF]  }
0x28: {  	s2 =	sld [smem:$0x3FB0]  }
0x29: {  	s4 =	sld [smem:$0x3FB2]  }
0x2a: {  	p0 =	seq.s32 s5, $0x0;
	s5 =	sld [smem:$0x3FB3]  }
0x2b: {  	s6 =	sld [smem:$0x3FB4]  }
0x2c: {  	s7 =	sld [smem:$0x3FB5]  }
0x2d: {  	s3 =	simm.s32 $0x108;
	s8 =	sld [smem:$0x3FB6]  }
0x2e: {  	s3 =	simm.s32 @!p0 $0x1082;
	s9 =	sld [smem:$0x3FB7]  }
0x2f: {  	lr =	sadd.s32 s0, s3;
	s0 =	sld [smem:$0x3FAE]  }
0x30: {  	s3 =	sld [smem:$0x3FB1]  }
0x31: {  	[smem:$0x3FBA] =	sst s10  }
0x32: {  	s10 =	sld [smem:$0x3FB8];
	_ =	sdelay $0x3  }
0x33: {  	p0 =	seq.s32 s10, $0x1;
	s10 =	sld [smem:$0x3FBA];
	_ =	sdelay $0x3  }
0x34: {  	[smem:$0x3FBA] =	sst s10  }
0x35: {  	s10 =	sld [smem:$0x3FB9];
	_ =	sdelay $0x3  }
0x36: {  	p1 =	seq.s32 s10, $0x1;
	s10 =	sld [smem:$0x3FBA];
	_ =	sdelay $0x3  }
0x37: {  	[smem:$0x3FBA] =	sst s10  }
0x38: {  	s10 =	sld [smem:$0x3FBB]  }
0x39: {  	_ = 	snop;
	(pc) =	sbr.ind lr, $3  }
0x3a: {  	_ = 	snop  }
0x3b: {  	_ = 	snop  }
0x3c: {  	p2 =	seq.s32 s10, $0x1;
	s10 =	sld [smem:$0x3FBA]  }
0x3d: {  	_ =	shalt  }
0x3e: {  	_ =	shalt  }
0x3f: {  	_ =	shalt  }
0x40: {  	_ =	shalt  }
0x41: {  	_ =	shalt  }
0x42: {  	_ =	shalt  }
0x43: {  	_ =	shalt  }
0x44: {  	_ =	shalt  }
0x45: {  	_ =	shalt  }
0x46: {  	_ =	shalt  }
0x47: {  	_ =	shalt  }
0x48: {  	_ =	shalt  }
0x49: {  	_ =	shalt  }
0x4a: {  	_ =	shalt  }
0x4b: {  	_ =	shalt  }
0x4c: {  	_ =	shalt  }
0x4d: {  	_ =	shalt  }
0x4e: {  	_ =	shalt  }
0x4f: {  	_ =	shalt  }
0x50: {  	_ =	shalt  }
0x51: {  	_ =	shalt  }
0x52: {  	_ =	shalt  }
0x53: {  	_ =	shalt  }
0x54: {  	_ =	shalt  }
0x55: {  	_ =	shalt  }
0x56: {  	_ =	shalt  }
0x57: {  	_ =	shalt  }
0x58: {  	_ =	shalt  }
0x59: {  	_ =	shalt  }
0x5a: {  	_ =	shalt  }
0x5b: {  	_ =	shalt  }
0x5c: {  	_ =	shalt  }
0x5d: {  	_ =	shalt  }
0x5e: {  	_ =	shalt  }
0x5f: {  	_ =	shalt  }
0x60: {  	_ =	shalt  }
0x61: {  	_ =	shalt  }
0x62: {  	_ =	shalt  }
0x63: {  	_ =	shalt  }
0x64: {  	_ =	shalt  }
0x65: {  	_ =	shalt  }
0x66: {  	_ =	shalt  }
0x67: {  	_ =	shalt  }
0x68: {  	_ =	shalt  }
0x69: {  	_ =	shalt  }
0x6a: {  	_ =	shalt  }
0x6b: {  	_ =	shalt  }
0x6c: {  	_ =	shalt  }
0x6d: {  	_ =	shalt  }
0x6e: {  	_ =	shalt  }
0x6f: {  	_ =	shalt  }
0x70: {  	_ =	shalt  }
0x71: {  	_ =	shalt  }
0x72: {  	_ =	shalt  }
0x73: {  	_ =	shalt  }
0x74: {  	_ =	shalt  }
0x75: {  	_ =	shalt  }
0x76: {  	_ =	shalt  }
0x77: {  	_ =	shalt  }
0x78: {  	_ =	shalt  }
0x79: {  	_ =	shalt  }
0x7a: {  	_ =	shalt  }
0x7b: {  	_ =	shalt  }
0x7c: {  	_ =	shalt  }
0x7d: {  	_ =	shalt  }
0x7e: {  	_ =	shalt  }
0x7f: {  	_ =	shalt  }
0x80: {  	_ =	shalt  }
0x81: {  	_ =	shalt  }
0x82: {  	_ =	shalt  }
0x83: {  	_ =	shalt  }
0x84: {  	_ =	shalt  }
0x85: {  	_ =	shalt  }
0x86: {  	_ =	shalt  }
0x87: {  	_ =	shalt  }
.Lfunc_end0:
.L_simem_size_0:
called_computation_lowered:
.L_overlay_start_0:
0x88: {  	s2 =	sld [smem:$0x3FD9]  }
0x89: {  	s3 =	sld [smem:$0x3FFE];
	_ =	sdelay $0x1  }
0x8a: {  	s1 =	srdreg.scid  }
0x8b: {  	s0 =	sand.u32 $0x1, s1  }
0x8c: {  	s15 =	sshll.u32 s0, $0xA;
	s2 =	sadd.s32 s3, s2  }
0x8d: {  	s2 =	sadd.s32 s2, s15  }
0x8e: {  	[smem:$0x3FC6] =	sst s2  }
0x8f: {  	_ = 	snop  }
0x90: {  	s2 =	sld [smem:$0x3FD0];
	_ =	sdelay $0x1  }
0x91: {  	s16 =	sld [smem:$0x3FC9]  }
0x92: {  	s5 =	simm.s32 $0xA;
	s6 =	simm.s32 $0x10;
	s4 =	sld [smem:$0x3FC8]  }
0x93: {  	[smem:s6], [sflag:s5] =	dma.local [hbm:s2], $0x1  }
0x94: {  	_ =	swait.eq [sflag:s5], $0x1  }
0x95: {  	[sflag:s5] =	ssyncset.done $0x0  }
0x96: {  	s17 =	sld [smem:$0x10];
	[sflag:s5] =	ssyncadd.s32 $0xFFFFFFFF  }
0x97: {  	s18 =	sld [smem:$0x11];
	(tm) =	ssettm $0x1  }
0x98: {  	s19 =	sld [smem:$0x3FFB];
	_ =	sdelay $0x3  }
0x99: {  	_ =	strace s19  }
0x9a: {  	s6 =	sld [smem:$0x3FFC];
	_ =	sdelay $0x3  }
0x9b: {  	_ =	strace s6  }
0x9c: {  	s6 =	sld [smem:$0x3FFD];
	_ =	sdelay $0x3  }
0x9d: {  	_ =	strace s6  }
0x9e: {  	_ =	strace $0x8FFFFFFF  }
0x9f: {  	s20 =	sld [smem:$0x3FDB];
	_ =	sdelay $0x1  }
0xa0: {  	s7 =	simm.s32 $_scs_section_size  }
0xa1: {  	s8 =	simm.s32 $_size__tile_overlayer_lowered;
	s9 =	simm.s32 $_tile_overlayer_lowered  }
0xa2: {  	s23 =	simm.s32 $0x1BFF;
	s22 =	sshll.u32 s9, $0x1;
	s6 =	sadd.s32 s7, s20  }
0xa3: {  	s10 =	simm.s32 $0x0;
	s21 =	sshll.u32 s8, $0x1;
	s8 =	sadd.s32 s22, s6  }
0xa4: {  	[timem:s10], [sflag:s23] =	dma.local [hbm:s8], s21  }
0xa5: {  	_ =	swait.ge [sflag:s23], s21  }
0xa6: {  	s7 =	ssub.s32 $0x0, s21;
	[sflag:s23] =	ssyncset.done $0x0  }
0xa7: {  	[sflag:s23] =	ssyncadd.s32 s7;
	_ =	sdelay $0x1  }
0xa8: {  	s24 =	simm.s32 $0x1B8B  }
0xa9: {  	_ =	swait.ge [sflag:s24], $0x1  }
0xaa: {  	[sflag:s24] =	ssyncset.done $0x0  }
0xab: {  	s25 =	simm.s32 $0x1B8E;
	[sflag:s24] =	ssyncadd.s32 $0xFFFFFFFF  }
0xac: {  	s26 =	simm.s32 $execute0_lowered;
	[smem:$0x3FD2] =	sst s25  }
0xad: {  	s7 =	sshll.u32 s26, $0x1;
	_ =	strace $0x80000046;
	[dreg:$0x1] =	wrdreg $0xFFFFFFFF  }
0xae: {  	s28 =	simm.s32 $_size_execute0_lowered;
	s6 =	sadd.s32 s6, s7;
	[dreg:$0x0] =	wrdreg $0x0  }
0xaf: {  	s7 =	sshll.u32 s28, $0x1;
	[dreg:$0x2] =	wrdreg s6  }
0xb0: {  	[dreg:$0x3] =	wrdreg s7  }
0xb1: {  	[dreg:$0x4] =	wrdreg $0xC0  }
0xb2: {  	_ =	task [dreg:s10], $0x5FFFF  }
0xb3: {  	[dreg:$0x1] =	wrdreg $0xFFFFFFFF  }
0xb4: {  	[dreg:$0x0] =	wrdreg $0x60  }
0xb5: {  	[dreg:$0x2] =	wrdreg s16  }
0xb6: {  	[dreg:$0x3] =	wrdreg s4  }
0xb7: {  	[dreg:$0x4] =	wrdreg s17  }
0xb8: {  	[dreg:$0x5] =	wrdreg s18  }
0xb9: {  	[dreg:$0x6] =	wrdreg $0x9  }
0xba: {  	_ =	task.clear_ibuf [dreg:s10], $0x7FFFF;
	_ =	strace $0x90000046  }
0xbb: {  	s29 =	simm.s32 $0x9;
	_ =	strace $0x80000048  }
0xbc: {  	_ =	swait.ge [sflag:s29], $0x1  }
0xbd: {  	[sflag:s29] =	ssyncadd.s32 $0xFFFFFFFF  }
0xbe: {  	_ =	strace $0x90000048  }
0xbf: {  	_ =	sfence  }
0xc0: {  	s30 =	sld [smem:$0x0];
	_ =	sdelay $0x2  }
0xc1: {  	s31 =	sshll.u32 s1, $0xD;
	s1 =	sshrl.u32 s1, $0x2  }
0xc2: {  	s3 =	sand.u32 $0x4000, s31;
	s1 =	sadd.s32 s1, s30  }
0xc3: {  	s0 =	sor.u32 s3, s0;
	s1 =	sshll.u32 s1, $0x11  }
0xc4: {  	s0 =	sor.u32 s1, s0  }
0xc5: {  	s0 =	sadd.s32 $0x8F2B, s0  }
0xc6: {  	[sflag:s0] =	ssyncadd.remote.s32 $0x1  }
0xc7: {  	_ =	sfence.sel $0xFFFF  }
0xc8: {  	[dreg:$0x0] =	wrdreg $0xFFFFFFFF;
	(pc) =	sbr.abs _section_cstart, $3  }
0xc9: {  	[dreg:$0x1] =	wrdreg $0xFFFFFFFF  }
0xca: {  	_ =	task.clear_ibuf [dreg:s10], $0x2FFFF;
	_ =	strace $0x9FFFFFFF  }
0xcb: {  	(tm) =	ssettm $0x7FFFFFFF  }
tec
execute0_lowered:
.L_overlay_start_1:
0x0: {  	(tag) =	ssettag $0x1  }
0x1: {  	s1 =	rddreg [dreg:$0x0]  }
0x2: {  	s2 =	rddreg [dreg:$0x1]  }
0x3: {  	s3 =	rddreg [dreg:$0x2]  }
0x4: {  	s4 =	rddreg [dreg:$0x3]  }
0x5: {  	s0 =	rddreg [dreg:$0x4];
	s6 =	simm.s32 $0x0  }
0x6: {  	s7 =	srdreg.scid;
	s5 =	stileid.u32;
	s12 =	simm.s32 $0x1000  }
0x7: {  	s13 =	simm.s32 $0x2000;
	s16 =	simm.s32 $0x0;
	[smem:$0x7FF] =	sst s6  }
0x8: {  	s8 =	sand.u32 $0x1, s7;
	s30 =	sshll.u32 s5, $0x1;
	s14 =	smul.u32 $0x280, s5  }
0x9: {  	s9 =	ssub.s32 $0x2, s8;
	s10 =	sor.u32 s8, s30;
	s8 =	smul.u32 $0x27100, s8  }
0xa: {  	_ =	strace $0x80000047;
	s11 =	sshrl.u32 s9, $0x1;
	s7 =	smul.u32 $0x29A10, s10  }
0xb: {  	s10 =	sshll.u32 s10, $0x1;
	s15 =	sadd.s32 $0x280, s14;
	v0 =	vmov s14;
	s14 =	simm.s32 $0x2100  }
0xc: {  	s11 =	ssub.s32 s9, s11;
	s31 =	sadd.s32 s10, s4;
	v1 =	vmov s15;
	s15 =	simm.s32 $0x2200  }
0xd: {  	v2 =	vimm.s32 $0x0;
	s9 =	sadd.s32 $0xA6840, s31;
	s10 =	smax.u32 s11, $0x1;
	s11 =	simm.s32 $0x1  }
.LBB2_1:
0xe: {  	[tilespmem:$0x2000] =	vst v0  }
0xf: {  	[tilespmem:$0x2100] =	vst v2  }
0x10: {  	[tilespmem:$0x2010] =	vst v0  }
0x11: {  	[tilespmem:$0x2110] =	vst v2  }
0x12: {  	[tilespmem:$0x2020] =	vst v0  }
0x13: {  	[tilespmem:$0x2120] =	vst v2  }
0x14: {  	[tilespmem:$0x2030] =	vst v0  }
0x15: {  	[tilespmem:$0x2130] =	vst v2  }
0x16: {  	[tilespmem:$0x2040] =	vst v0  }
0x17: {  	[tilespmem:$0x2140] =	vst v2  }
0x18: {  	[tilespmem:$0x2050] =	vst v0  }
0x19: {  	[tilespmem:$0x2150] =	vst v2  }
0x1a: {  	[tilespmem:$0x2060] =	vst v0  }
0x1b: {  	[tilespmem:$0x2160] =	vst v2  }
0x1c: {  	[tilespmem:$0x2070] =	vst v0  }
0x1d: {  	[tilespmem:$0x2170] =	vst v2  }
0x1e: {  	[tilespmem:$0x2080] =	vst v0  }
0x1f: {  	[tilespmem:$0x2180] =	vst v2  }
0x20: {  	[tilespmem:$0x2090] =	vst v0  }
0x21: {  	[tilespmem:$0x2190] =	vst v2  }
0x22: {  	[tilespmem:$0x20A0] =	vst v0  }
0x23: {  	[tilespmem:$0x21A0] =	vst v2  }
0x24: {  	[tilespmem:$0x20B0] =	vst v0  }
0x25: {  	[tilespmem:$0x21B0] =	vst v2  }
0x26: {  	[tilespmem:$0x20C0] =	vst v0  }
0x27: {  	[tilespmem:$0x21C0] =	vst v2  }
0x28: {  	[tilespmem:$0x20D0] =	vst v0  }
0x29: {  	[tilespmem:$0x21D0] =	vst v2  }
0x2a: {  	[tilespmem:$0x20E0] =	vst v0  }
0x2b: {  	[tilespmem:$0x21E0] =	vst v2  }
0x2c: {  	[smem:$0x0] =	sst s6;
	[tilespmem:$0x20F0] =	vst v0;
	s22 =	simm.s32 $0x0  }
0x2d: {  	[tilespmem:$0x21F0] =	vst v2;
	s21 =	simm.s32 $0x0;
	s17 =	simm.s32 $0x0;
	[smem:$0x1] =	sst s6  }
.LBB2_2:
0x2e: {  	s18 =	smul.u32 $0xFA0, s17;
	_ =	sdelay $0x1  }
0x2f: {  	s18 =	sadd.s32 s8, s18  }
0x30: {  	s18 =	sshrl.u32 s18, $0x3  }
0x31: {  	s20 =	simm.s32 $0x0;
	s19 =	sadd.s32 s2, s18  }
0x32: {  	[tilespmem:s20], [sflag:$0x1] =	stream.linear.gather [hbm4b:s19+s20], $0xFA0, $0x38;
	[tilespmem:$0x2280] =	vst v63  }
0x33: {  	_ =	swait.ge [sflag:s11], $0xFA0  }
0x34: {  	[sflag:s11] =	ssyncset.done $0x0  }
0x35: {  	s18 =	sadd.s32 s1, s18;
	[sflag:s11] =	ssyncadd.s32 $0xFFFFF060  }
0x36: {  	[tilespmem:s12], [sflag:$0x1] =	stream.linear.gather [hbm4b:s18+s20], $0xFA0, $0x38;
	[tilespmem:$0x2280] =	vst v63  }
0x37: {  	_ =	swait.ge [sflag:s11], $0xFA0  }
0x38: {  	[sflag:s11] =	ssyncset.done $0x0  }
0x39: {  	s30 =	simm.s32 $0x0;
	[sflag:s11] =	ssyncadd.s32 $0xFFFFF060  }
0x3a: {  	v3 =	vld [tilespmem:s30+$0x0];
	_ =	sdelay $0x4  }
0x3b: {  	vm0 =	vge.s32 v3, v0;
	vm1 =	vlt.s32 v3, v1  }
0x3c: {  	vm0 =	vmand vm0, vm1  }
0x3d: {  	v4 =	vsel vm0, $0x1, v2  }
0x3e: {  	v5 =	vor.u32 $0x80000000, v4  }
0x3f: {  	(xrf0) =	vmax.scan.msk.u32 $0xffff, v5;
	_ =	sdelay $0x5  }
0x40: {  	v5, _, _ =	vpop (xrf0)  }
0x41: {  	(v2sf) =	vpush v5, $0xF;
	_ =	sdelay $0xe  }
0x42: {  	s31 =	spop (v2sf)  }
0x43: {  	p0 =	slt.u32 s31, $0x80000001  }
0x44: {  	(xrf0) =	vadd.scan.msk.s32 @!p0 $0xffff, v4;
	_ =	sdelay $0x5  }
0x45: {  	v5, _, _ =	vpop @!p0 (xrf0)  }
0x46: {  	v6 =	vxor.u32 @!p0 $0x80000000, v5  }
0x47: {  	(xrf0) =	vmax.scan.msk.u32 @!p0 $0xffff, v6;
	_ =	sdelay $0x5  }
0x48: {  	v6, _, _ =	vpop @!p0 (xrf0)  }
0x49: {  	(v2sf) =	vpush @!p0 v6, $0xF;
	_ =	sdelay $0xe  }
0x4a: {  	s19 =	simm.s32 @!p0 $0x0;
	v4 =	vsub.s32 @!p0 v5, v4;
	s18 =	spop @!p0 (v2sf)  }
0x4b: {  	v5 =	vld @!p0 [tilespmem:s19+$0x1000];
	v4 =	vadd.s32 @!p0 s21, v4;
	s18 =	sadd.s32 @!p0 s18, s21  }
0x4c: {  	s19 =	sadd.s32 @!p0 $0x80000000, s18  }
0x4d: {  	p1 =	slt.s32 @!p0 s19, $0xF0  }
0x4e: {  	s20 =	simm.s32 @!p0 $0x2000;
	s23 =	simm.s32 @!p0 $0x2100;
	p2 =	por p1, p0  }
0x4f: {  	s18 =	simm.s32 $0x40;
	p3 =	por !p1, p0;
	s24 =	sshll.u32 @!p2 s22, $0x4  }
0x50: {  	v3 =	vsub.s32 @!p0 v3, v0;
	[tilespmem:v4+s20+$0x0] =	vst.idx.msk @!p0 vm0, v5;
	s25 =	simm.s32 @!p2 $0x0;
	s26 =	sadd.s32 @!p2 $0xF, s19;
	s20 =	simm.s32 @!p2 $0x2000  }
0x51: {  	[tilespmem:v4+s23+$0x0] =	vst.idx.msk @!p0 vm0, v3;
	s23 =	simm.s32 @!p2 $0x1;
	s24 =	sadd.s32 @!p2 s7, s24;
	s28 =	sand.u32 @!p2 $0xF, s26  }
0x52: {  	p5 =	slt.s32 @!p2 s26, $0x1;
	s24 =	sshrl.u32 @!p2 s24, $0x3;
	p4 =	sne.s32 @!p2 s28, $0x0  }
0x53: {  	s19 =	simm.s32 @p3 $0x0;
	s28 =	sadd.s32 @!p2 s3, s24;
	p4 =	por @!p2 !p5, !p4  }
0x54: {  	[hbm4b:s28+s25] =	stream.linear.scatter @!p2 [tilespmem:s20], [sflag:$0x1], $0x100, $0x38;
	[tilespmem:$0x2280] =	vst v63  }
0x55: {  	s24 =	sadd.s32 @!p2 s4, s24;
	s20 =	simm.s32 @!p2 $0x2100;
	_ =	swait.ge @!p2 [sflag:s23], $0x100  }
0x56: {  	s28 =	sshra.s32 @!p2 s26, $0x1F;
	p4 =	por @!p2 !p4, !p4;
	[sflag:s23] =	ssyncset.done @!p2 $0x0  }
0x57: {  	s28 =	sshrl.u32 @!p2 s28, $0x1C;
	p1 =	por @!p0 !p4, p1;
	[sflag:s23] =	ssyncadd.s32 @!p2 $0xFFFFFF00  }
0x58: {  	[hbm4b:s24+s25] =	stream.linear.scatter @!p2 [tilespmem:s20], [sflag:$0x1], $0x100, $0x38;
	[tilespmem:$0x2280] =	vst v63  }
0x59: {  	s26 =	sadd.s32 @!p2 s28, s26;
	p1 =	por !p1, p0;
	s25 =	simm.s32 @!p2 $0x1  }
0x5a: {  	s20 =	smov.u32 s21;
	s24 =	sshra.s32 @!p2 s26, $0x4;
	s21 =	smov.u32 s19  }
0x5b: {  	s19 =	smov.u32 s22;
	_ =	swait.ge @!p2 [sflag:s23], $0x100;
	s25 =	simm.s32 @!p1 $0x0  }
.LBB2_3:
0x5c: {  	s22 =	smov.u32 s19;
	s26 =	smov.u32 s20;
	s20 =	smov.u32 s21  }
0x5d: {  	s24 =	ssub.s32 @!p2 s24, s25;
	[sflag:s23] =	ssyncset.done @!p2 $0x0;
	s20 =	smov.u32 @p0 s26  }
0x5e: {  	s21 =	sshra.s32 s18, $0x2;
	[sflag:s23] =	ssyncadd.s32 @!p2 $0xFFFFFF00;
	s23 =	sadd.s32 @!p2 s19, s24  }
0x5f: {  	v3 =	vld [tilespmem:s21+$0x0];
	s19 =	smov.u32 @p3 s23;
	s21 =	smov.u32 s18;
	s18 =	sadd.s32 $0x40, s18  }
0x60: {  	p1 =	sne.s32 s18, $0x3E80;
	s19 =	smov.u32 @p0 s22;
	_ =	sdelay $0x3  }
0x61: {  	vm0 =	vge.s32 v3, v0;
	vm1 =	vlt.s32 v3, v1  }
0x62: {  	vm0 =	vmand vm0, vm1  }
0x63: {  	v4 =	vsel vm0, $0x1, v2  }
0x64: {  	v5 =	vor.u32 $0x80000000, v4  }
0x65: {  	(xrf0) =	vmax.scan.msk.u32 $0xffff, v5;
	_ =	sdelay $0x5  }
0x66: {  	v5, _, _ =	vpop (xrf0)  }
0x67: {  	(v2sf) =	vpush v5, $0xF;
	_ =	sdelay $0xe  }
0x68: {  	s22 =	spop (v2sf)  }
0x69: {  	p0 =	slt.u32 s22, $0x80000001  }
0x6a: {  	s21 =	sshra.s32 @!p0 s21, $0x2;
	v3 =	vsub.s32 @!p0 v3, v0;
	(xrf0) =	vadd.scan.msk.s32 @!p0 $0xffff, v4;
	_ =	sdelay $0x5  }
0x6b: {  	v5, _, _ =	vpop @!p0 (xrf0)  }
0x6c: {  	v4 =	vsub.s32 @!p0 v5, v4;
	v5 =	vxor.u32 @!p0 $0x80000000, v5  }
0x6d: {  	v4 =	vadd.s32 @!p0 s20, v4;
	v6 =	vld @!p0 [tilespmem:s21+$0x1000];
	(xrf0) =	vmax.scan.msk.u32 @!p0 $0xffff, v5;
	_ =	sdelay $0x3  }
0x6e: {  	s21 =	simm.s32 @!p0 $0x2000  }
0x6f: {  	[tilespmem:v4+s21+$0x0] =	vst.idx.msk @!p0 vm0, v6;
	s21 =	simm.s32 @!p0 $0x2100  }
0x70: {  	[tilespmem:v4+s21+$0x0] =	vst.idx.msk @!p0 vm0, v3;
	v3, _, _ =	vpop @!p0 (xrf0)  }
0x71: {  	(v2sf) =	vpush @!p0 v3, $0xF;
	_ =	sdelay $0xe  }
0x72: {  	s21 =	spop @!p0 (v2sf)  }
0x73: {  	s21 =	sadd.s32 @!p0 s21, s20  }
0x74: {  	s21 =	sadd.s32 @!p0 $0x80000000, s21  }
0x75: {  	p4 =	slt.s32 @!p0 s21, $0xF0  }
0x76: {  	p2 =	por p4, p0  }
0x77: {  	p3 =	por !p4, p0;
	s22 =	sshll.u32 @!p2 s19, $0x4  }
0x78: {  	s25 =	simm.s32 @!p2 $0x0;
	s24 =	sadd.s32 @!p2 $0xF, s21;
	s26 =	simm.s32 @!p2 $0x2000  }
0x79: {  	s23 =	simm.s32 @!p2 $0x1;
	s22 =	sadd.s32 @!p2 s7, s22;
	s28 =	sand.u32 @!p2 $0xF, s24  }
0x7a: {  	p6 =	slt.s32 @!p2 s24, $0x1;
	s22 =	sshrl.u32 @!p2 s22, $0x3;
	p5 =	sne.s32 @!p2 s28, $0x0  }
0x7b: {  	s29 =	simm.s32 @!p2 $0x2100;
	s28 =	sadd.s32 @!p2 s3, s22;
	p5 =	por @!p2 !p6, !p5  }
0x7c: {  	[hbm4b:s28+s25] =	stream.linear.scatter @!p2 [tilespmem:s26], [sflag:$0x1], $0x100, $0x38;
	[tilespmem:$0x2280] =	vst v63  }
0x7d: {  	s26 =	sshra.s32 @!p2 s24, $0x1F;
	p5 =	por @!p2 !p5, !p5;
	_ =	swait.ge @!p2 [sflag:s23], $0x100  }
0x7e: {  	s26 =	sshrl.u32 @!p2 s26, $0x1C;
	p4 =	por @!p0 !p5, p4;
	[sflag:s23] =	ssyncset.done @!p2 $0x0  }
.Ltmp0:
0x7f: {  	s24 =	sadd.s32 @!p2 s26, s24;
	[sflag:s23] =	ssyncadd.s32 @!p2 $0xFFFFFF00;
	(pc) =	sbr.rel @p1 .LBB2_3-.Ltmp0, $4  }
0x80: {  	s22 =	sadd.s32 @!p2 s4, s22;
	p4 =	por !p4, p0;
	s24 =	sshra.s32 @!p2 s24, $0x4  }
0x81: {  	[hbm4b:s22+s25] =	stream.linear.scatter @!p2 [tilespmem:s29], [sflag:$0x1], $0x100, $0x38;
	[tilespmem:$0x2280] =	vst v63  }
0x82: {  	s25 =	simm.s32 @!p2 $0x1  }
0x83: {  	s21 =	simm.s32 @p3 $0x0;
	_ =	swait.ge @!p2 [sflag:s23], $0x100;
	s25 =	simm.s32 @!p4 $0x0  }
0x84: {  	s17 =	sadd.s32 $0x1, s17  }
0x85: {  	p1 =	sne.s32 s17, $0x28  }
.Ltmp1:
0x86: {  	_ = 	snop;
	(pc) =	sbr.rel @p1 .LBB2_2-.Ltmp1, $4  }
0x87: {  	s18 =	ssub.s32 @!p2 s24, s25  }
0x88: {  	s22 =	smov.u32 s19;
	s18 =	sadd.s32 @!p2 s19, s18  }
0x89: {  	[sflag:s23] =	ssyncset.done @!p2 $0x0;
	s22 =	smov.u32 @p3 s18  }
0x8a: {  	s21 =	smov.u32 @p0 s20;
	[sflag:s23] =	ssyncadd.s32 @!p2 $0xFFFFFF00;
	s22 =	smov.u32 @p0 s19  }
0x8b: {  	s17 =	sshll.u32 s22, $0x4  }
0x8c: {  	s17 =	sadd.s32 s7, s17  }
0x8d: {  	s17 =	sshrl.u32 s17, $0x3  }
0x8e: {  	s28 =	sadd.s32 $0xF, s21;
	s18 =	sadd.s32 s3, s17  }
0x8f: {  	[hbm4b:s18+s6] =	stream.linear.scatter [tilespmem:s13], [sflag:$0x1], $0x100, $0x38;
	[tilespmem:$0x2280] =	vst v63  }
0x90: {  	p0 =	slt.s32 s21, $0xFFFFFFF2;
	s19 =	sand.u32 $0xF, s28;
	_ =	swait.ge [sflag:s11], $0x100  }
0x91: {  	s29 =	sshra.s32 s28, $0x1F;
	p1 =	sne.s32 s19, $0x0;
	[sflag:s11] =	ssyncset.done $0x0  }
0x92: {  	s17 =	sadd.s32 s4, s17;
	s18 =	sshrl.u32 s29, $0x1C;
	[sflag:s11] =	ssyncadd.s32 $0xFFFFFF00  }
0x93: {  	[hbm4b:s17+s6] =	stream.linear.scatter [tilespmem:s14], [sflag:$0x1], $0x100, $0x38;
	[tilespmem:$0x2280] =	vst v63  }
0x94: {  	p0 =	por !p0, !p1;
	s17 =	sadd.s32 s18, s28  }
0x95: {  	p0 =	por !p0, !p0;
	s18 =	simm.s32 $0x1;
	s17 =	sshra.s32 s17, $0x4  }
0x96: {  	s18 =	simm.s32 @!p0 $0x0;
	s17 =	sadd.s32 s22, s17  }
0x97: {  	_ =	swait.ge [sflag:s11], $0x100;
	s17 =	ssub.s32 s17, s18  }
0x98: {  	[sflag:s11] =	ssyncset.done $0x0;
	s18 =	sshll.u32 s17, $0x4  }
0x99: {  	[sflag:s11] =	ssyncadd.s32 $0xFFFFFF00;
	s30 =	sadd.s32 s7, s18  }
0x9a: {  	[smem:$0x1] =	sst s17;
	s31 =	sshrl.u32 s30, $0x3  }
0x9b: {  	[smem:$0x0] =	sst s6;
	s19 =	sadd.s32 s3, s31  }
0x9c: {  	[hbm4b:s19+s6] =	stream.linear.scatter [tilespmem:s13], [sflag:$0x1], $0x100, $0x38;
	[tilespmem:$0x2280] =	vst v63  }
0x9d: {  	_ =	swait.ge [sflag:s11], $0x100  }
0x9e: {  	[sflag:s11] =	ssyncset.done $0x0  }
0x9f: {  	s17 =	sadd.s32 s4, s31;
	[sflag:s11] =	ssyncadd.s32 $0xFFFFFF00  }
0xa0: {  	[hbm4b:s17+s6] =	stream.linear.scatter [tilespmem:s14], [sflag:$0x1], $0x100, $0x38;
	[tilespmem:$0x2280] =	vst v63  }
0xa1: {  	_ =	swait.ge [sflag:s11], $0x100  }
0xa2: {  	s16 =	sadd.s32 $0x1, s16;
	[sflag:s11] =	ssyncset.done $0x0  }
0xa3: {  	p0 =	sne.s32 s16, s10;
	v3 =	vmov s18;
	[sflag:s11] =	ssyncadd.s32 $0xFFFFFF00  }
.Ltmp2:
0xa4: {  	[tilespmem:$0x2200] =	vst v3;
	(pc) =	sbr.rel @p0 .LBB2_1-.Ltmp2, $4  }
0xa5: {  	[hbm4b:s9+s6] =	stream.linear.scatter [tilespmem:s15], [sflag:$0x1], $0x10, $0x38;
	[tilespmem:$0x2280] =	vst v63  }
0xa6: {  	_ =	swait.ge [sflag:s11], $0x10  }
0xa7: {  	[sflag:s11] =	ssyncset.done $0x0  }
0xa8: {  	[sflag:s11] =	ssyncadd.s32 $0xFFFFFFF0  }
0xa9: {  	_ =	sfence.sel $0x180000  }
0xaa: {  	[bflag:$0x0] =	sbarrier.arrive $0xFFFF  }
0xab: {  	p0 =	sne.s32 s5, $0x0;
	_ =	strace $0x90000047  }
0xac: {  	s0 =	sadd.s32 @!p0 $0x100000, s0;
	[bflag:$0x2] =	sbarrier.arrive $0xFFFF  }
0xad: {  	[sflag:s0] =	ssyncadd.tile.s32 @!p0 $0x1;
	_ =	shalt  }
.Lfunc_end2:
_tile_overlayer_lowered:
.L_overlay_start_2:
0xae: {  	(tag) =	ssettag $0x2  }
0xaf: {  	s0 =	rddreg [dreg:$0x0];
	s2 =	stileid.u32  }
0xb0: {  	s1 =	rddreg [dreg:$0x1];
	p0 =	sne.s32 s2, $0x0  }
0xb1: {  	s3 =	rddreg [dreg:$0x2];
	[bflag:$0x3] =	sbarrier.arrive $0xFFFF;
	s2 =	simm.s32 @!p0 $0x1C01  }
0xb2: {  	[timem:s3], [sflag:s2] =	dma.local @!p0 [hbm:s0], s1  }
0xb3: {  	s0 =	simm.s32 @!p0 $0x1  }
0xb4: {  	_ =	swait.ge @!p0 [sflag:s0], s1  }
0xb5: {  	s1 =	ssub.s32 @!p0 $0x0, s1;
	[sflag:s0] =	ssyncset.done @!p0 $0x0  }
0xb6: {  	[sflag:s0] =	ssyncadd.s32 @!p0 s1  }
0xb7: {  	[bflag:$0x3] =	sbarrier.arrive $0xFFFF  }
0xb8: {  	_ =	shalt  }

</sc_bundles>
